<compile_context>
chip_gen: v7x
topology: tpu7x:2x2x1
jax: 0.10.2.dev20260603
libtpu: 0.0.44.dev20260713+nightly
codegen_flags: <defaults>
</compile_context>

<pallas_src>
import functools

import jax
import jax.numpy as jnp
from jax import lax
from jax.experimental import pallas as pl
from jax.experimental.pallas import tpu as pltpu
from jax.experimental.pallas import tpu_sc as plsc

_B = 1024
_D = 128
_K = 1024
_EPS = 1e-6
_HB = _B // 2
_HK = _K // 2

_NC = 2
_NS = 16
_NW = _NC * _NS
_BPW = _B // _NW


def _rank_chunk(x, w, halfwsq, koff):
    cross = jax.lax.dot_general(
        x, w, (((1,), (0,)), ((), ())),
        precision=jax.lax.Precision.HIGHEST,
        preferred_element_type=jnp.float32,
    )
    r = cross - halfwsq
    m = jnp.max(r, axis=1, keepdims=True)
    kio = jax.lax.broadcasted_iota(jnp.int32, (_HB, _HK), 1) + koff
    i = jnp.min(jnp.where(r == m, kio, _K), axis=1, keepdims=True)
    return m, i


def _som_body(x_hbm, w_hbm, idx_ref, loss_ref, x_v, w_v, sems):
    cx0 = pltpu.make_async_copy(x_hbm.at[pl.ds(0, _HB)], x_v.at[pl.ds(0, _HB)], sems.at[0])
    cw0 = pltpu.make_async_copy(w_hbm.at[:, pl.ds(0, _HK)], w_v.at[:, pl.ds(0, _HK)], sems.at[1])
    cx1 = pltpu.make_async_copy(x_hbm.at[pl.ds(_HB, _HB)], x_v.at[pl.ds(_HB, _HB)], sems.at[2])
    cw1 = pltpu.make_async_copy(w_hbm.at[:, pl.ds(_HK, _HK)], w_v.at[:, pl.ds(_HK, _HK)], sems.at[3])
    cx0.start()
    cw0.start()
    cx1.start()
    cw1.start()

    cx0.wait()
    cw0.wait()
    x0 = x_v[pl.ds(0, _HB), :] + _EPS
    xsq0 = jnp.sum(x0 * x0, axis=1, keepdims=True)
    w0 = w_v[:, pl.ds(0, _HK)]
    hw0 = 0.5 * jnp.sum(w0 * w0, axis=0, keepdims=True)
    m00, i00 = _rank_chunk(x0, w0, hw0, 0)

    cx1.wait()
    x1 = x_v[pl.ds(_HB, _HB), :] + _EPS
    xsq1 = jnp.sum(x1 * x1, axis=1, keepdims=True)
    m10, i10 = _rank_chunk(x1, w0, hw0, 0)

    cw1.wait()
    w1 = w_v[:, pl.ds(_HK, _HK)]
    hw1 = 0.5 * jnp.sum(w1 * w1, axis=0, keepdims=True)
    m01, i01 = _rank_chunk(x0, w1, hw1, _HK)
    m11, i11 = _rank_chunk(x1, w1, hw1, _HK)

    idx_ref[pl.ds(0, _HB), :] = jnp.where(m01 > m00, i01, i00)
    maxv0 = jnp.maximum(m00, m01)
    idx_ref[pl.ds(_HB, _HB), :] = jnp.where(m11 > m10, i11, i10)
    maxv1 = jnp.maximum(m10, m11)

    mind0 = jnp.sqrt(jnp.maximum(xsq0 - 2.0 * maxv0, 0.0))
    mind1 = jnp.sqrt(jnp.maximum(xsq1 - 2.0 * maxv1, 0.0))
    loss_ref[...] = (jnp.sum(mind0, axis=0, keepdims=True)
                     + jnp.sum(mind1, axis=0, keepdims=True)) / _B


def _sc_gather(locf, idxf):
    mesh = plsc.VectorSubcoreMesh(core_axis_name="c", subcore_axis_name="s")

    @functools.partial(
        pl.kernel, mesh=mesh,
        out_type=jax.ShapeDtypeStruct((2 * _B,), jnp.float32),
        compiler_params=pltpu.CompilerParams(needs_layout_passes=False),
        scratch_types=[
            pltpu.VMEM((2 * _K,), jnp.float32),
            pltpu.VMEM((_BPW,), jnp.int32),
            pltpu.VMEM((2 * _BPW,), jnp.float32),
        ],
    )
    def k(loc_hbm, idx_hbm, out_hbm, loc_v, idx_v, out_v):
        wid = lax.axis_index("s") * _NC + lax.axis_index("c")
        base = wid * _BPW
        pltpu.sync_copy(loc_hbm, loc_v)
        pltpu.sync_copy(idx_hbm.at[pl.ds(base, _BPW)], idx_v)
        lane = lax.broadcasted_iota(jnp.int32, (16,), 0)
        for g in range(_BPW // 16):
            ig = idx_v[pl.ds(g * 16, 16)]
            two = ig + ig
            xv = plsc.load_gather(loc_v, [two])
            yv = plsc.load_gather(loc_v, [two + 1])
            pos = lane + lane + g * 32
            plsc.store_scatter(out_v, [pos], xv)
            plsc.store_scatter(out_v, [pos + 1], yv)
        pltpu.sync_copy(out_v, out_hbm.at[pl.ds(2 * base, 2 * _BPW)])

    return k(locf, idxf)


def kernel(input, weight, locations):
    idx, loss = pl.pallas_call(
        _som_body,
        in_specs=[
            pl.BlockSpec(memory_space=pl.ANY),
            pl.BlockSpec(memory_space=pl.ANY),
        ],
        out_shape=(
            jax.ShapeDtypeStruct((_B, 1), jnp.int32),
            jax.ShapeDtypeStruct((1, 1), jnp.float32),
        ),
        scratch_shapes=[
            pltpu.VMEM((_B, _D), jnp.float32),
            pltpu.VMEM((_D, _K), jnp.float32),
            pltpu.SemaphoreType.DMA((8,)),
        ],
    )(input, weight)
    locs = _sc_gather(locations.reshape(2 * _K), idx.reshape(_B))
    return locs.reshape(_B, 1, 2), loss[0, 0]

# --- scband reference (transcript-rebuilt; emitter-appended) ---
"""Pipeline reference for scband-som-47579647705546 (READ-ONLY COPY).

The authoritative reference and input builder live on the scoring server;
editing this copy changes nothing except your own understanding.
"""

import jax, jax.numpy as jnp
import numpy as np

B = 1024
INPUT_SIZE = 128
HIDDEN_SIZE = 1024  # must be a perfect square (32x32 SOM grid)


def setup_inputs(seed: int = 0) -> dict:
    key = jax.random.key(seed)
    k1, k2 = jax.random.split(key)
    x = jax.random.normal(k1, (B, INPUT_SIZE), dtype=jnp.float32)
    # nn.Parameter(torch.randn(input_size, hidden_size)) -- note layout [d, K]
    weight = jax.random.normal(k2, (INPUT_SIZE, HIDDEN_SIZE), dtype=jnp.float32)
    g = int(HIDDEN_SIZE ** 0.5)
    locs = np.array([(i, j) for i in range(g) for j in range(g)], dtype=np.float32)
    locations = jnp.asarray(locs)  # [K, 2]
    return {"input": x, "weight": weight, "locations": locations}


def reference(input, weight, locations):
    # Faithful translation of SOM.forward:
    #   input.view(B, d, 1) broadcast against weight.expand(B, d, K),
    #   PairwiseDistance(p=2) reduces over dim=1 (the feature dim d),
    #   giving dists [B, K]; then min over K.
    eps = 1e-6  # torch.nn.PairwiseDistance default eps added as (x1 - x2 + eps)
    data_size = input.shape[0]
    diff = input[:, :, None] - weight[None, :, :] + eps  # [B, d, K]
    dists = jnp.sqrt(jnp.sum(diff * diff, axis=1))  # [B, K]
    losses = jnp.min(dists, axis=1, keepdims=True)  # [B, 1]
    bmu_indexes = jnp.argmin(dists, axis=1)  # [B]
    bmu_locations = locations[bmu_indexes][:, None, :]  # [B, 1, 2] (keepdim index -> extra dim)
    loss = jnp.sum(losses) / data_size  # scalar (torch returns .item())
    return (bmu_locations, loss)

if __name__ == "__main__":
    import jax
    _d = setup_inputs()
    print(jax.jit(kernel)(*tuple(_d.values())))

</pallas_src>

<mosaic_0001>
#map = affine_map<(d0, d1) -> (0)>
module attributes {stable_mosaic.version = 14 : i64} {
  func.func @k(%arg0: i32, %arg1: i32, %arg2: memref<2048xf32, #tpu.memory_space<hbm>>, %arg3: memref<1024xi32, #tpu.memory_space<hbm>>, %arg4: memref<2048xf32, #tpu.memory_space<hbm>>, %arg5: memref<2048xf32, #tpu.memory_space<vmem>>, %arg6: memref<32xi32, #tpu.memory_space<vmem>>, %arg7: memref<64xf32, #tpu.memory_space<vmem>>) attributes {dimension_semantics = [#tpu.dimension_semantics<core_parallel>, #tpu.dimension_semantics<subcore_parallel>], iteration_bounds = array<i64: 2, 16>, scalar_prefetch = 0 : i64, scratch_operands = 3 : i64, tpu.core_type = #tpu.core_type<sc_vector_subcore>, window_params = [{transform_indices = #map}, {transform_indices = #map}, {transform_indices = #map}]} {
    %mul3A = arith.constant 2 : i32
    %mul3A_0 = arith.muli %arg1, %mul3A : i32
    %add3A = arith.addi %mul3A_0, %arg0 : i32
    %mul3A_1 = arith.constant 32 : i32
    %mul3A_2 = arith.muli %add3A, %mul3A_1 : i32
    "tpu.region"() ({
      %run_scoped3A = tpu.sem_alloc : memref<!tpu.dma_semaphore, #tpu.memory_space<semaphore_mem>>
      tpu.enqueue_dma source(%arg2 : memref<2048xf32, #tpu.memory_space<hbm>>) target(%arg5 : memref<2048xf32, #tpu.memory_space<vmem>>) target_semaphore(%run_scoped3A : memref<!tpu.dma_semaphore, #tpu.memory_space<semaphore_mem>>)
      tpu.wait_dma2 semaphore(%run_scoped3A : memref<!tpu.dma_semaphore, #tpu.memory_space<semaphore_mem>>) src(%arg2 : memref<2048xf32, #tpu.memory_space<hbm>>) dst(%arg5 : memref<2048xf32, #tpu.memory_space<vmem>>)
      tpu.yield
    }) : () -> ()
    "tpu.region"() ({
      %run_scoped3A = tpu.sem_alloc : memref<!tpu.dma_semaphore, #tpu.memory_space<semaphore_mem>>
      %dma_start3A = tpu.memref_slice %arg3[%mul3A_2] : memref<1024xi32, #tpu.memory_space<hbm>> -> memref<32xi32, #tpu.memory_space<hbm>>
      %dma_start3A_33 = tpu.memref_slice %arg3[%mul3A_2] : memref<1024xi32, #tpu.memory_space<hbm>> -> memref<32xi32, #tpu.memory_space<hbm>>
      tpu.enqueue_dma source(%dma_start3A_33 : memref<32xi32, #tpu.memory_space<hbm>>) target(%arg6 : memref<32xi32, #tpu.memory_space<vmem>>) target_semaphore(%run_scoped3A : memref<!tpu.dma_semaphore, #tpu.memory_space<semaphore_mem>>)
      %dma_wait3A = tpu.memref_slice %arg3[%mul3A_2] : memref<1024xi32, #tpu.memory_space<hbm>> -> memref<32xi32, #tpu.memory_space<hbm>>
      %dma_wait3A_34 = tpu.memref_slice %arg3[%mul3A_2] : memref<1024xi32, #tpu.memory_space<hbm>> -> memref<32xi32, #tpu.memory_space<hbm>>
      tpu.wait_dma2 semaphore(%run_scoped3A : memref<!tpu.dma_semaphore, #tpu.memory_space<semaphore_mem>>) src(%dma_wait3A_34 : memref<32xi32, #tpu.memory_space<hbm>>) dst(%arg6 : memref<32xi32, #tpu.memory_space<vmem>>)
      tpu.yield
    }) : () -> ()
    %iota3A = tpu.iota {dimensions = array<i32: 0>} : vector<16xi32>
    %get3A = arith.constant 0 : index
    %get3A_3 = tpu.vector_load %arg6[%get3A] {strides = array<i32>} : memref<32xi32, #tpu.memory_space<vmem>>, vector<16xi32>,
    %add3A_4 = arith.addi %get3A_3, %get3A_3 : vector<16xi32>
    %gather3A = tpu.vector_load_idx %arg5[%add3A_4] : memref<2048xf32, #tpu.memory_space<vmem>>[vector<16xi32>], vector<16xf32>,
    %add3A_5 = arith.constant 1 : i32
    %add3A_6 = vector.broadcast %add3A_5 : i32 to vector<16xi32>
    %add3A_7 = arith.addi %add3A_4, %add3A_6 : vector<16xi32>
    %gather3A_8 = tpu.vector_load_idx %arg5[%add3A_7] : memref<2048xf32, #tpu.memory_space<vmem>>[vector<16xi32>], vector<16xf32>,
    %add3A_9 = arith.addi %iota3A, %iota3A : vector<16xi32>
    %add3A_10 = arith.constant 0 : i32
    %add3A_11 = vector.broadcast %add3A_10 : i32 to vector<16xi32>
    %add3A_12 = arith.addi %add3A_9, %add3A_11 : vector<16xi32>
    tpu.vector_store_idx %arg7[%add3A_12], %gather3A : memref<64xf32, #tpu.memory_space<vmem>>[vector<16xi32>], vector<16xf32>,
    %add3A_13 = arith.constant 1 : i32
    %add3A_14 = vector.broadcast %add3A_13 : i32 to vector<16xi32>
    %add3A_15 = arith.addi %add3A_12, %add3A_14 : vector<16xi32>
    tpu.vector_store_idx %arg7[%add3A_15], %gather3A_8 : memref<64xf32, #tpu.memory_space<vmem>>[vector<16xi32>], vector<16xf32>,
    %get3A_16 = arith.constant 16 : index
    %get3A_17 = tpu.vector_load %arg6[%get3A_16] {strides = array<i32>} : memref<32xi32, #tpu.memory_space<vmem>>, vector<16xi32>,
    %add3A_18 = arith.addi %get3A_17, %get3A_17 : vector<16xi32>
    %gather3A_19 = tpu.vector_load_idx %arg5[%add3A_18] : memref<2048xf32, #tpu.memory_space<vmem>>[vector<16xi32>], vector<16xf32>,
    %add3A_20 = arith.constant 1 : i32
    %add3A_21 = vector.broadcast %add3A_20 : i32 to vector<16xi32>
    %add3A_22 = arith.addi %add3A_18, %add3A_21 : vector<16xi32>
    %gather3A_23 = tpu.vector_load_idx %arg5[%add3A_22] : memref<2048xf32, #tpu.memory_space<vmem>>[vector<16xi32>], vector<16xf32>,
    %add3A_24 = arith.addi %iota3A, %iota3A : vector<16xi32>
    %add3A_25 = arith.constant 32 : i32
    %add3A_26 = vector.broadcast %add3A_25 : i32 to vector<16xi32>
    %add3A_27 = arith.addi %add3A_24, %add3A_26 : vector<16xi32>
    tpu.vector_store_idx %arg7[%add3A_27], %gather3A_19 : memref<64xf32, #tpu.memory_space<vmem>>[vector<16xi32>], vector<16xf32>,
    %add3A_28 = arith.constant 1 : i32
    %add3A_29 = vector.broadcast %add3A_28 : i32 to vector<16xi32>
    %add3A_30 = arith.addi %add3A_27, %add3A_29 : vector<16xi32>
    tpu.vector_store_idx %arg7[%add3A_30], %gather3A_23 : memref<64xf32, #tpu.memory_space<vmem>>[vector<16xi32>], vector<16xf32>,
    %mul3A_31 = arith.constant 2 : i32
    %mul3A_32 = arith.muli %mul3A_31, %mul3A_2 : i32
    "tpu.region"() ({
      %run_scoped3A = tpu.sem_alloc : memref<!tpu.dma_semaphore, #tpu.memory_space<semaphore_mem>>
      %dma_start3A = tpu.memref_slice %arg4[%mul3A_32] : memref<2048xf32, #tpu.memory_space<hbm>> -> memref<64xf32, #tpu.memory_space<hbm>>
      %dma_start3A_33 = tpu.memref_slice %arg4[%mul3A_32] : memref<2048xf32, #tpu.memory_space<hbm>> -> memref<64xf32, #tpu.memory_space<hbm>>
      tpu.enqueue_dma source(%arg7 : memref<64xf32, #tpu.memory_space<vmem>>) target(%dma_start3A_33 : memref<64xf32, #tpu.memory_space<hbm>>) target_semaphore(%run_scoped3A : memref<!tpu.dma_semaphore, #tpu.memory_space<semaphore_mem>>)
      %dma_wait3A = tpu.memref_slice %arg4[%mul3A_32] : memref<2048xf32, #tpu.memory_space<hbm>> -> memref<64xf32, #tpu.memory_space<hbm>>
      %dma_wait3A_34 = tpu.memref_slice %arg4[%mul3A_32] : memref<2048xf32, #tpu.memory_space<hbm>> -> memref<64xf32, #tpu.memory_space<hbm>>
      tpu.wait_dma2 semaphore(%run_scoped3A : memref<!tpu.dma_semaphore, #tpu.memory_space<semaphore_mem>>) src(%arg7 : memref<64xf32, #tpu.memory_space<vmem>>) dst(%dma_wait3A_34 : memref<64xf32, #tpu.memory_space<hbm>>)
      tpu.yield
    }) : () -> ()
    return
  }
}

module attributes {stable_mosaic.version = 14 : i64} {
  func.func @_som_body(%arg0: memref<1024x128xf32, #tpu.memory_space<any>>, %arg1: memref<128x1024xf32, #tpu.memory_space<any>>, %arg2: memref<1024x1xi32, #tpu.memory_space<vmem>>, %arg3: memref<1x1xf32, #tpu.memory_space<vmem>>, %arg4: memref<1024x128xf32, #tpu.memory_space<vmem>>, %arg5: memref<128x1024xf32, #tpu.memory_space<vmem>>, %arg6: memref<8x!tpu.dma_semaphore, #tpu.memory_space<semaphore_mem>>) attributes {dimension_semantics = [], scalar_prefetch = 0 : i64, scratch_operands = 3 : i64, tpu.core_type = #tpu.core_type<tc>} {
    %dma_start3A = arith.constant 0 : i32
    %dma_start3A_0 = tpu.memref_slice %arg6[%dma_start3A] : memref<8x!tpu.dma_semaphore, #tpu.memory_space<semaphore_mem>> -> memref<1x!tpu.dma_semaphore, #tpu.memory_space<semaphore_mem>>
    %dma_start3A_1 = tpu.memref_squeeze %dma_start3A_0 : memref<1x!tpu.dma_semaphore, #tpu.memory_space<semaphore_mem>> -> memref<!tpu.dma_semaphore, #tpu.memory_space<semaphore_mem>>
    %dma_start3A_2 = arith.constant 0 : i32
    %dma_start3A_3 = arith.constant 0 : i32
    %dma_start3A_4 = tpu.memref_slice %arg4[%dma_start3A_2, %dma_start3A_3] : memref<1024x128xf32, #tpu.memory_space<vmem>> -> memref<512x128xf32, #tpu.memory_space<vmem>>
    %dma_start3A_5 = arith.constant 0 : i32
    %dma_start3A_6 = arith.constant 0 : i32
    %dma_start3A_7 = tpu.memref_slice %arg0[%dma_start3A_5, %dma_start3A_6] : memref<1024x128xf32, #tpu.memory_space<any>> -> memref<512x128xf32, #tpu.memory_space<any>>
    tpu.enqueue_dma source(%dma_start3A_7 : memref<512x128xf32, #tpu.memory_space<any>>) target(%dma_start3A_4 : memref<512x128xf32, #tpu.memory_space<vmem>>) target_semaphore(%dma_start3A_1 : memref<!tpu.dma_semaphore, #tpu.memory_space<semaphore_mem>>)
    %dma_start3A_8 = arith.constant 1 : i32
    %dma_start3A_9 = tpu.memref_slice %arg6[%dma_start3A_8] : memref<8x!tpu.dma_semaphore, #tpu.memory_space<semaphore_mem>> -> memref<1x!tpu.dma_semaphore, #tpu.memory_space<semaphore_mem>>
    %dma_start3A_10 = tpu.memref_squeeze %dma_start3A_9 : memref<1x!tpu.dma_semaphore, #tpu.memory_space<semaphore_mem>> -> memref<!tpu.dma_semaphore, #tpu.memory_space<semaphore_mem>>
    %dma_start3A_11 = arith.constant 0 : i32
    %dma_start3A_12 = arith.constant 0 : i32
    %dma_start3A_13 = tpu.memref_slice %arg5[%dma_start3A_11, %dma_start3A_12] : memref<128x1024xf32, #tpu.memory_space<vmem>> -> memref<128x512xf32, #tpu.memory_space<vmem>>
    %dma_start3A_14 = arith.constant 0 : i32
    %dma_start3A_15 = arith.constant 0 : i32
    %dma_start3A_16 = tpu.memref_slice %arg1[%dma_start3A_14, %dma_start3A_15] : memref<128x1024xf32, #tpu.memory_space<any>> -> memref<128x512xf32, #tpu.memory_space<any>>
    tpu.enqueue_dma source(%dma_start3A_16 : memref<128x512xf32, #tpu.memory_space<any>>) target(%dma_start3A_13 : memref<128x512xf32, #tpu.memory_space<vmem>>) target_semaphore(%dma_start3A_10 : memref<!tpu.dma_semaphore, #tpu.memory_space<semaphore_mem>>)
    %dma_start3A_17 = arith.constant 2 : i32
    %dma_start3A_18 = tpu.memref_slice %arg6[%dma_start3A_17] : memref<8x!tpu.dma_semaphore, #tpu.memory_space<semaphore_mem>> -> memref<1x!tpu.dma_semaphore, #tpu.memory_space<semaphore_mem>>
    %dma_start3A_19 = tpu.memref_squeeze %dma_start3A_18 : memref<1x!tpu.dma_semaphore, #tpu.memory_space<semaphore_mem>> -> memref<!tpu.dma_semaphore, #tpu.memory_space<semaphore_mem>>
    %dma_start3A_20 = arith.constant 512 : i32
    %dma_start3A_21 = arith.constant 0 : i32
    %dma_start3A_22 = tpu.memref_slice %arg4[%dma_start3A_20, %dma_start3A_21] : memref<1024x128xf32, #tpu.memory_space<vmem>> -> memref<512x128xf32, #tpu.memory_space<vmem>>
    %dma_start3A_23 = arith.constant 512 : i32
    %dma_start3A_24 = arith.constant 0 : i32
    %dma_start3A_25 = tpu.memref_slice %arg0[%dma_start3A_23, %dma_start3A_24] : memref<1024x128xf32, #tpu.memory_space<any>> -> memref<512x128xf32, #tpu.memory_space<any>>
    tpu.enqueue_dma source(%dma_start3A_25 : memref<512x128xf32, #tpu.memory_space<any>>) target(%dma_start3A_22 : memref<512x128xf32, #tpu.memory_space<vmem>>) target_semaphore(%dma_start3A_19 : memref<!tpu.dma_semaphore, #tpu.memory_space<semaphore_mem>>)
    %dma_start3A_26 = arith.constant 3 : i32
    %dma_start3A_27 = tpu.memref_slice %arg6[%dma_start3A_26] : memref<8x!tpu.dma_semaphore, #tpu.memory_space<semaphore_mem>> -> memref<1x!tpu.dma_semaphore, #tpu.memory_space<semaphore_mem>>
    %dma_start3A_28 = tpu.memref_squeeze %dma_start3A_27 : memref<1x!tpu.dma_semaphore, #tpu.memory_space<semaphore_mem>> -> memref<!tpu.dma_semaphore, #tpu.memory_space<semaphore_mem>>
    %dma_start3A_29 = arith.constant 0 : i32
    %dma_start3A_30 = arith.constant 512 : i32
    %dma_start3A_31 = tpu.memref_slice %arg5[%dma_start3A_29, %dma_start3A_30] : memref<128x1024xf32, #tpu.memory_space<vmem>> -> memref<128x512xf32, #tpu.memory_space<vmem>>
    %dma_start3A_32 = arith.constant 0 : i32
    %dma_start3A_33 = arith.constant 512 : i32
    %dma_start3A_34 = tpu.memref_slice %arg1[%dma_start3A_32, %dma_start3A_33] : memref<128x1024xf32, #tpu.memory_space<any>> -> memref<128x512xf32, #tpu.memory_space<any>>
    tpu.enqueue_dma source(%dma_start3A_34 : memref<128x512xf32, #tpu.memory_space<any>>) target(%dma_start3A_31 : memref<128x512xf32, #tpu.memory_space<vmem>>) target_semaphore(%dma_start3A_28 : memref<!tpu.dma_semaphore, #tpu.memory_space<semaphore_mem>>)
    %dma_wait3A = arith.constant 0 : i32
    %dma_wait3A_35 = tpu.memref_slice %arg6[%dma_wait3A] : memref<8x!tpu.dma_semaphore, #tpu.memory_space<semaphore_mem>> -> memref<1x!tpu.dma_semaphore, #tpu.memory_space<semaphore_mem>>
    %dma_wait3A_36 = tpu.memref_squeeze %dma_wait3A_35 : memref<1x!tpu.dma_semaphore, #tpu.memory_space<semaphore_mem>> -> memref<!tpu.dma_semaphore, #tpu.memory_space<semaphore_mem>>
    %dma_wait3A_37 = arith.constant 0 : i32
    %dma_wait3A_38 = arith.constant 0 : i32
    %dma_wait3A_39 = tpu.memref_slice %arg4[%dma_wait3A_37, %dma_wait3A_38] : memref<1024x128xf32, #tpu.memory_space<vmem>> -> memref<512x128xf32, #tpu.memory_space<vmem>>
    %dma_wait3A_40 = arith.constant 0 : i32
    %dma_wait3A_41 = arith.constant 0 : i32
    %dma_wait3A_42 = tpu.memref_slice %arg0[%dma_wait3A_40, %dma_wait3A_41] : memref<1024x128xf32, #tpu.memory_space<any>> -> memref<512x128xf32, #tpu.memory_space<any>>
    tpu.wait_dma2 semaphore(%dma_wait3A_36 : memref<!tpu.dma_semaphore, #tpu.memory_space<semaphore_mem>>) src(%dma_wait3A_42 : memref<512x128xf32, #tpu.memory_space<any>>) dst(%dma_wait3A_39 : memref<512x128xf32, #tpu.memory_space<vmem>>)
    %dma_wait3A_43 = arith.constant 1 : i32
    %dma_wait3A_44 = tpu.memref_slice %arg6[%dma_wait3A_43] : memref<8x!tpu.dma_semaphore, #tpu.memory_space<semaphore_mem>> -> memref<1x!tpu.dma_semaphore, #tpu.memory_space<semaphore_mem>>
    %dma_wait3A_45 = tpu.memref_squeeze %dma_wait3A_44 : memref<1x!tpu.dma_semaphore, #tpu.memory_space<semaphore_mem>> -> memref<!tpu.dma_semaphore, #tpu.memory_space<semaphore_mem>>
    %dma_wait3A_46 = arith.constant 0 : i32
    %dma_wait3A_47 = arith.constant 0 : i32
    %dma_wait3A_48 = tpu.memref_slice %arg5[%dma_wait3A_46, %dma_wait3A_47] : memref<128x1024xf32, #tpu.memory_space<vmem>> -> memref<128x512xf32, #tpu.memory_space<vmem>>
    %dma_wait3A_49 = arith.constant 0 : i32
    %dma_wait3A_50 = arith.constant 0 : i32
    %dma_wait3A_51 = tpu.memref_slice %arg1[%dma_wait3A_49, %dma_wait3A_50] : memref<128x1024xf32, #tpu.memory_space<any>> -> memref<128x512xf32, #tpu.memory_space<any>>
    tpu.wait_dma2 semaphore(%dma_wait3A_45 : memref<!tpu.dma_semaphore, #tpu.memory_space<semaphore_mem>>) src(%dma_wait3A_51 : memref<128x512xf32, #tpu.memory_space<any>>) dst(%dma_wait3A_48 : memref<128x512xf32, #tpu.memory_space<vmem>>)
    %get3A = arith.constant 0 : index
    %get3A_52 = arith.constant 0 : index
    %get3A_53 = vector.load %arg4[%get3A, %get3A_52] : memref<1024x128xf32, #tpu.memory_space<vmem>>, vector<512x128xf32>
    %add3A = arith.constant 9.99999997E-7 : f32
    %add3A_54 = vector.broadcast %add3A : f32 to vector<512x128xf32>
    %add3A_55 = arith.addf %get3A_53, %add3A_54 : vector<512x128xf32>
    %mul3A = arith.mulf %add3A_55, %add3A_55 : vector<512x128xf32>
    %reduce_sum3A = arith.constant dense<0.000000e+00> : vector<512xf32>
    %reduce_sum3A_56 = vector.multi_reduction <add>, %mul3A, %reduce_sum3A [1] : vector<512x128xf32> to vector<512xf32>
    %broadcast_in_dim3A = vector.shape_cast %reduce_sum3A_56 : vector<512xf32> to vector<512x1xf32>
    %get3A_57 = arith.constant 0 : index
    %get3A_58 = arith.constant 0 : index
    %get3A_59 = vector.load %arg5[%get3A_57, %get3A_58] : memref<128x1024xf32, #tpu.memory_space<vmem>>, vector<128x512xf32>
    %mul3A_60 = arith.mulf %get3A_59, %get3A_59 : vector<128x512xf32>
    %reduce_sum3A_61 = arith.constant dense<0.000000e+00> : vector<512xf32>
    %reduce_sum3A_62 = vector.multi_reduction <add>, %mul3A_60, %reduce_sum3A_61 [0] : vector<128x512xf32> to vector<512xf32>
    %broadcast_in_dim3A_63 = vector.shape_cast %reduce_sum3A_62 : vector<512xf32> to vector<1x512xf32>
    %mul3A_64 = arith.constant 5.000000e-01 : f32
    %mul3A_65 = vector.broadcast %mul3A_64 : f32 to vector<1x512xf32>
    %mul3A_66 = arith.mulf %mul3A_65, %broadcast_in_dim3A_63 : vector<1x512xf32>
    %dot_general3A = arith.constant dense<0.000000e+00> : vector<512x512xf32>
    %dot_general3A_67 = tpu.matmul %add3A_55, %get3A_59, %dot_general3A {dimension_numbers = #tpu.dot_dimension_numbers<[1], [0], [0], [1], [0, 0, 1, 1], [], []>, precision = #tpu.contract_precision<fp32>, transpose_lhs_hint = false} : vector<512x128xf32>, vector<128x512xf32>, vector<512x512xf32> -> vector<512x512xf32>
    %sub3A = vector.broadcast %mul3A_66 : vector<1x512xf32> to vector<512x512xf32>
    %sub3A_68 = arith.subf %dot_general3A_67, %sub3A : vector<512x512xf32>
    %reduce_max3A = arith.constant dense<0xFF800000> : vector<512xf32>
    %reduce_max3A_69 = vector.multi_reduction <maximumf>, %sub3A_68, %reduce_max3A [1] : vector<512x512xf32> to vector<512xf32>
    %broadcast_in_dim3A_70 = vector.shape_cast %reduce_max3A_69 : vector<512xf32> to vector<512x1xf32>
    %iota3A = tpu.iota {dimensions = array<i32: 1>} : vector<512x512xi32>
    %add3A_71 = arith.constant 0 : i32
    %add3A_72 = vector.broadcast %add3A_71 : i32 to vector<512x512xi32>
    %add3A_73 = arith.addi %iota3A, %add3A_72 : vector<512x512xi32>
    %eq3A = vector.broadcast %broadcast_in_dim3A_70 : vector<512x1xf32> to vector<512x512xf32>
    %eq3A_74 = arith.cmpf oeq, %sub3A_68, %eq3A : vector<512x512xf32>
    %jit3A = arith.constant 1024 : i32
    %broadcast_in_dim3A_75 = vector.broadcast %jit3A : i32 to vector<512x512xi32>
    %select_n3A = arith.select %eq3A_74, %add3A_73, %broadcast_in_dim3A_75 : vector<512x512xi1>, vector<512x512xi32>
    %reduce_min3A = arith.constant dense<2147483647> : vector<512xi32>
    %reduce_min3A_76 = vector.multi_reduction <minsi>, %select_n3A, %reduce_min3A [1] : vector<512x512xi32> to vector<512xi32>
    %broadcast_in_dim3A_77 = vector.shape_cast %reduce_min3A_76 : vector<512xi32> to vector<512x1xi32>
    %dma_wait3A_78 = arith.constant 2 : i32
    %dma_wait3A_79 = tpu.memref_slice %arg6[%dma_wait3A_78] : memref<8x!tpu.dma_semaphore, #tpu.memory_space<semaphore_mem>> -> memref<1x!tpu.dma_semaphore, #tpu.memory_space<semaphore_mem>>
    %dma_wait3A_80 = tpu.memref_squeeze %dma_wait3A_79 : memref<1x!tpu.dma_semaphore, #tpu.memory_space<semaphore_mem>> -> memref<!tpu.dma_semaphore, #tpu.memory_space<semaphore_mem>>
    %dma_wait3A_81 = arith.constant 512 : i32
    %dma_wait3A_82 = arith.constant 0 : i32
    %dma_wait3A_83 = tpu.memref_slice %arg4[%dma_wait3A_81, %dma_wait3A_82] : memref<1024x128xf32, #tpu.memory_space<vmem>> -> memref<512x128xf32, #tpu.memory_space<vmem>>
    %dma_wait3A_84 = arith.constant 512 : i32
    %dma_wait3A_85 = arith.constant 0 : i32
    %dma_wait3A_86 = tpu.memref_slice %arg0[%dma_wait3A_84, %dma_wait3A_85] : memref<1024x128xf32, #tpu.memory_space<any>> -> memref<512x128xf32, #tpu.memory_space<any>>
    tpu.wait_dma2 semaphore(%dma_wait3A_80 : memref<!tpu.dma_semaphore, #tpu.memory_space<semaphore_mem>>) src(%dma_wait3A_86 : memref<512x128xf32, #tpu.memory_space<any>>) dst(%dma_wait3A_83 : memref<512x128xf32, #tpu.memory_space<vmem>>)
    %get3A_87 = arith.constant 512 : index
    %get3A_88 = arith.constant 0 : index
    %get3A_89 = vector.load %arg4[%get3A_87, %get3A_88] : memref<1024x128xf32, #tpu.memory_space<vmem>>, vector<512x128xf32>
    %add3A_90 = arith.constant 9.99999997E-7 : f32
    %add3A_91 = vector.broadcast %add3A_90 : f32 to vector<512x128xf32>
    %add3A_92 = arith.addf %get3A_89, %add3A_91 : vector<512x128xf32>
    %mul3A_93 = arith.mulf %add3A_92, %add3A_92 : vector<512x128xf32>
    %reduce_sum3A_94 = arith.constant dense<0.000000e+00> : vector<512xf32>
    %reduce_sum3A_95 = vector.multi_reduction <add>, %mul3A_93, %reduce_sum3A_94 [1] : vector<512x128xf32> to vector<512xf32>
    %broadcast_in_dim3A_96 = vector.shape_cast %reduce_sum3A_95 : vector<512xf32> to vector<512x1xf32>
    %dot_general3A_97 = arith.constant dense<0.000000e+00> : vector<512x512xf32>
    %dot_general3A_98 = tpu.matmul %add3A_92, %get3A_59, %dot_general3A_97 {dimension_numbers = #tpu.dot_dimension_numbers<[1], [0], [0], [1], [0, 0, 1, 1], [], []>, precision = #tpu.contract_precision<fp32>, transpose_lhs_hint = false} : vector<512x128xf32>, vector<128x512xf32>, vector<512x512xf32> -> vector<512x512xf32>
    %sub3A_99 = vector.broadcast %mul3A_66 : vector<1x512xf32> to vector<512x512xf32>
    %sub3A_100 = arith.subf %dot_general3A_98, %sub3A_99 : vector<512x512xf32>
    %reduce_max3A_101 = arith.constant dense<0xFF800000> : vector<512xf32>
    %reduce_max3A_102 = vector.multi_reduction <maximumf>, %sub3A_100, %reduce_max3A_101 [1] : vector<512x512xf32> to vector<512xf32>
    %broadcast_in_dim3A_103 = vector.shape_cast %reduce_max3A_102 : vector<512xf32> to vector<512x1xf32>
    %iota3A_104 = tpu.iota {dimensions = array<i32: 1>} : vector<512x512xi32>
    %add3A_105 = arith.constant 0 : i32
    %add3A_106 = vector.broadcast %add3A_105 : i32 to vector<512x512xi32>
    %add3A_107 = arith.addi %iota3A_104, %add3A_106 : vector<512x512xi32>
    %eq3A_108 = vector.broadcast %broadcast_in_dim3A_103 : vector<512x1xf32> to vector<512x512xf32>
    %eq3A_109 = arith.cmpf oeq, %sub3A_100, %eq3A_108 : vector<512x512xf32>
    %jit3A_110 = arith.constant 1024 : i32
    %broadcast_in_dim3A_111 = vector.broadcast %jit3A_110 : i32 to vector<512x512xi32>
    %select_n3A_112 = arith.select %eq3A_109, %add3A_107, %broadcast_in_dim3A_111 : vector<512x512xi1>, vector<512x512xi32>
    %reduce_min3A_113 = arith.constant dense<2147483647> : vector<512xi32>
    %reduce_min3A_114 = vector.multi_reduction <minsi>, %select_n3A_112, %reduce_min3A_113 [1] : vector<512x512xi32> to vector<512xi32>
    %broadcast_in_dim3A_115 = vector.shape_cast %reduce_min3A_114 : vector<512xi32> to vector<512x1xi32>
    %dma_wait3A_116 = arith.constant 3 : i32
    %dma_wait3A_117 = tpu.memref_slice %arg6[%dma_wait3A_116] : memref<8x!tpu.dma_semaphore, #tpu.memory_space<semaphore_mem>> -> memref<1x!tpu.dma_semaphore, #tpu.memory_space<semaphore_mem>>
    %dma_wait3A_118 = tpu.memref_squeeze %dma_wait3A_117 : memref<1x!tpu.dma_semaphore, #tpu.memory_space<semaphore_mem>> -> memref<!tpu.dma_semaphore, #tpu.memory_space<semaphore_mem>>
    %dma_wait3A_119 = arith.constant 0 : i32
    %dma_wait3A_120 = arith.constant 512 : i32
    %dma_wait3A_121 = tpu.memref_slice %arg5[%dma_wait3A_119, %dma_wait3A_120] : memref<128x1024xf32, #tpu.memory_space<vmem>> -> memref<128x512xf32, #tpu.memory_space<vmem>>
    %dma_wait3A_122 = arith.constant 0 : i32
    %dma_wait3A_123 = arith.constant 512 : i32
    %dma_wait3A_124 = tpu.memref_slice %arg1[%dma_wait3A_122, %dma_wait3A_123] : memref<128x1024xf32, #tpu.memory_space<any>> -> memref<128x512xf32, #tpu.memory_space<any>>
    tpu.wait_dma2 semaphore(%dma_wait3A_118 : memref<!tpu.dma_semaphore, #tpu.memory_space<semaphore_mem>>) src(%dma_wait3A_124 : memref<128x512xf32, #tpu.memory_space<any>>) dst(%dma_wait3A_121 : memref<128x512xf32, #tpu.memory_space<vmem>>)
    %get3A_125 = arith.constant 0 : index
    %get3A_126 = arith.constant 512 : index
    %get3A_127 = vector.load %arg5[%get3A_125, %get3A_126] : memref<128x1024xf32, #tpu.memory_space<vmem>>, vector<128x512xf32>
    %mul3A_128 = arith.mulf %get3A_127, %get3A_127 : vector<128x512xf32>
    %reduce_sum3A_129 = arith.constant dense<0.000000e+00> : vector<512xf32>
    %reduce_sum3A_130 = vector.multi_reduction <add>, %mul3A_128, %reduce_sum3A_129 [0] : vector<128x512xf32> to vector<512xf32>
    %broadcast_in_dim3A_131 = vector.shape_cast %reduce_sum3A_130 : vector<512xf32> to vector<1x512xf32>
    %mul3A_132 = arith.constant 5.000000e-01 : f32
    %mul3A_133 = vector.broadcast %mul3A_132 : f32 to vector<1x512xf32>
    %mul3A_134 = arith.mulf %mul3A_133, %broadcast_in_dim3A_131 : vector<1x512xf32>
    %dot_general3A_135 = arith.constant dense<0.000000e+00> : vector<512x512xf32>
    %dot_general3A_136 = tpu.matmul %add3A_55, %get3A_127, %dot_general3A_135 {dimension_numbers = #tpu.dot_dimension_numbers<[1], [0], [0], [1], [0, 0, 1, 1], [], []>, precision = #tpu.contract_precision<fp32>, transpose_lhs_hint = false} : vector<512x128xf32>, vector<128x512xf32>, vector<512x512xf32> -> vector<512x512xf32>
    %sub3A_137 = vector.broadcast %mul3A_134 : vector<1x512xf32> to vector<512x512xf32>
    %sub3A_138 = arith.subf %dot_general3A_136, %sub3A_137 : vector<512x512xf32>
    %reduce_max3A_139 = arith.constant dense<0xFF800000> : vector<512xf32>
    %reduce_max3A_140 = vector.multi_reduction <maximumf>, %sub3A_138, %reduce_max3A_139 [1] : vector<512x512xf32> to vector<512xf32>
    %broadcast_in_dim3A_141 = vector.shape_cast %reduce_max3A_140 : vector<512xf32> to vector<512x1xf32>
    %iota3A_142 = tpu.iota {dimensions = array<i32: 1>} : vector<512x512xi32>
    %add3A_143 = arith.constant 512 : i32
    %add3A_144 = vector.broadcast %add3A_143 : i32 to vector<512x512xi32>
    %add3A_145 = arith.addi %iota3A_142, %add3A_144 : vector<512x512xi32>
    %eq3A_146 = vector.broadcast %broadcast_in_dim3A_141 : vector<512x1xf32> to vector<512x512xf32>
    %eq3A_147 = arith.cmpf oeq, %sub3A_138, %eq3A_146 : vector<512x512xf32>
    %jit3A_148 = arith.constant 1024 : i32
    %broadcast_in_dim3A_149 = vector.broadcast %jit3A_148 : i32 to vector<512x512xi32>
    %select_n3A_150 = arith.select %eq3A_147, %add3A_145, %broadcast_in_dim3A_149 : vector<512x512xi1>, vector<512x512xi32>
    %reduce_min3A_151 = arith.constant dense<2147483647> : vector<512xi32>
    %reduce_min3A_152 = vector.multi_reduction <minsi>, %select_n3A_150, %reduce_min3A_151 [1] : vector<512x512xi32> to vector<512xi32>
    %broadcast_in_dim3A_153 = vector.shape_cast %reduce_min3A_152 : vector<512xi32> to vector<512x1xi32>
    %dot_general3A_154 = arith.constant dense<0.000000e+00> : vector<512x512xf32>
    %dot_general3A_155 = tpu.matmul %add3A_92, %get3A_127, %dot_general3A_154 {dimension_numbers = #tpu.dot_dimension_numbers<[1], [0], [0], [1], [0, 0, 1, 1], [], []>, precision = #tpu.contract_precision<fp32>, transpose_lhs_hint = false} : vector<512x128xf32>, vector<128x512xf32>, vector<512x512xf32> -> vector<512x512xf32>
    %sub3A_156 = vector.broadcast %mul3A_134 : vector<1x512xf32> to vector<512x512xf32>
    %sub3A_157 = arith.subf %dot_general3A_155, %sub3A_156 : vector<512x512xf32>
    %reduce_max3A_158 = arith.constant dense<0xFF800000> : vector<512xf32>
    %reduce_max3A_159 = vector.multi_reduction <maximumf>, %sub3A_157, %reduce_max3A_158 [1] : vector<512x512xf32> to vector<512xf32>
    %broadcast_in_dim3A_160 = vector.shape_cast %reduce_max3A_159 : vector<512xf32> to vector<512x1xf32>
    %iota3A_161 = tpu.iota {dimensions = array<i32: 1>} : vector<512x512xi32>
    %add3A_162 = arith.constant 512 : i32
    %add3A_163 = vector.broadcast %add3A_162 : i32 to vector<512x512xi32>
    %add3A_164 = arith.addi %iota3A_161, %add3A_163 : vector<512x512xi32>
    %eq3A_165 = vector.broadcast %broadcast_in_dim3A_160 : vector<512x1xf32> to vector<512x512xf32>
    %eq3A_166 = arith.cmpf oeq, %sub3A_157, %eq3A_165 : vector<512x512xf32>
    %jit3A_167 = arith.constant 1024 : i32
    %broadcast_in_dim3A_168 = vector.broadcast %jit3A_167 : i32 to vector<512x512xi32>
    %select_n3A_169 = arith.select %eq3A_166, %add3A_164, %broadcast_in_dim3A_168 : vector<512x512xi1>, vector<512x512xi32>
    %reduce_min3A_170 = arith.constant dense<2147483647> : vector<512xi32>
    %reduce_min3A_171 = vector.multi_reduction <minsi>, %select_n3A_169, %reduce_min3A_170 [1] : vector<512x512xi32> to vector<512xi32>
    %broadcast_in_dim3A_172 = vector.shape_cast %reduce_min3A_171 : vector<512xi32> to vector<512x1xi32>
    %gt3A = arith.cmpf ogt, %broadcast_in_dim3A_141, %broadcast_in_dim3A_70 : vector<512x1xf32>
    %select_n3A_173 = arith.select %gt3A, %broadcast_in_dim3A_153, %broadcast_in_dim3A_77 : vector<512x1xi1>, vector<512x1xi32>
    %swap3A = arith.constant 0 : index
    %swap3A_174 = arith.constant 0 : index
    %swap3A_175 = vector.load %arg2[%swap3A, %swap3A_174] : memref<1024x1xi32, #tpu.memory_space<vmem>>, vector<512x1xi32>
    tpu.vector_store %arg2[%swap3A, %swap3A_174], %select_n3A_173 {strides = array<i32>} : memref<1024x1xi32, #tpu.memory_space<vmem>>, vector<512x1xi32>,
    %max3A = arith.maximumf %broadcast_in_dim3A_70, %broadcast_in_dim3A_141 : vector<512x1xf32>
    %gt3A_176 = arith.cmpf ogt, %broadcast_in_dim3A_160, %broadcast_in_dim3A_103 : vector<512x1xf32>
    %select_n3A_177 = arith.select %gt3A_176, %broadcast_in_dim3A_172, %broadcast_in_dim3A_115 : vector<512x1xi1>, vector<512x1xi32>
    %swap3A_178 = arith.constant 512 : index
    %swap3A_179 = arith.constant 0 : index
    %swap3A_180 = vector.load %arg2[%swap3A_178, %swap3A_179] : memref<1024x1xi32, #tpu.memory_space<vmem>>, vector<512x1xi32>
    tpu.vector_store %arg2[%swap3A_178, %swap3A_179], %select_n3A_177 {strides = array<i32>} : memref<1024x1xi32, #tpu.memory_space<vmem>>, vector<512x1xi32>,
    %max3A_181 = arith.maximumf %broadcast_in_dim3A_103, %broadcast_in_dim3A_160 : vector<512x1xf32>
    %mul3A_182 = arith.constant 2.000000e+00 : f32
    %mul3A_183 = vector.broadcast %mul3A_182 : f32 to vector<512x1xf32>
    %mul3A_184 = arith.mulf %mul3A_183, %max3A : vector<512x1xf32>
    %sub3A_185 = arith.subf %broadcast_in_dim3A, %mul3A_184 : vector<512x1xf32>
    %max3A_186 = arith.constant 0.000000e+00 : f32
    %max3A_187 = vector.broadcast %max3A_186 : f32 to vector<512x1xf32>
    %max3A_188 = arith.maximumf %sub3A_185, %max3A_187 : vector<512x1xf32>
    %sqrt3A = math.sqrt %max3A_188 : vector<512x1xf32>
    %mul3A_189 = arith.constant 2.000000e+00 : f32
    %mul3A_190 = vector.broadcast %mul3A_189 : f32 to vector<512x1xf32>
    %mul3A_191 = arith.mulf %mul3A_190, %max3A_181 : vector<512x1xf32>
    %sub3A_192 = arith.subf %broadcast_in_dim3A_96, %mul3A_191 : vector<512x1xf32>
    %max3A_193 = arith.constant 0.000000e+00 : f32
    %max3A_194 = vector.broadcast %max3A_193 : f32 to vector<512x1xf32>
    %max3A_195 = arith.maximumf %sub3A_192, %max3A_194 : vector<512x1xf32>
    %sqrt3A_196 = math.sqrt %max3A_195 : vector<512x1xf32>
    %reduce_sum3A_197 = arith.constant dense<0.000000e+00> : vector<1xf32>
    %reduce_sum3A_198 = vector.multi_reduction <add>, %sqrt3A, %reduce_sum3A_197 [0] : vector<512x1xf32> to vector<1xf32>
    %broadcast_in_dim3A_199 = vector.shape_cast %reduce_sum3A_198 : vector<1xf32> to vector<1x1xf32>
    %reduce_sum3A_200 = arith.constant dense<0.000000e+00> : vector<1xf32>
    %reduce_sum3A_201 = vector.multi_reduction <add>, %sqrt3A_196, %reduce_sum3A_200 [0] : vector<512x1xf32> to vector<1xf32>
    %broadcast_in_dim3A_202 = vector.shape_cast %reduce_sum3A_201 : vector<1xf32> to vector<1x1xf32>
    %add3A_203 = arith.addf %broadcast_in_dim3A_199, %broadcast_in_dim3A_202 : vector<1x1xf32>
    %div3A = arith.constant 1.024000e+03 : f32
    %div3A_204 = vector.broadcast %div3A : f32 to vector<1x1xf32>
    %div3A_205 = arith.divf %add3A_203, %div3A_204 : vector<1x1xf32>
    %swap3A_206 = arith.constant 0 : index
    %swap3A_207 = arith.constant 0 : index
    %swap3A_208 = vector.load %arg3[%swap3A_206, %swap3A_207] : memref<1x1xf32, #tpu.memory_space<vmem>>, vector<1x1xf32>
    tpu.vector_store %arg3[%swap3A_206, %swap3A_207], %div3A_205 {strides = array<i32>} : memref<1x1xf32, #tpu.memory_space<vmem>>, vector<1x1xf32>,
    return
  }
}

</mosaic_0001>

<sc_bundles>
// kernel: kernel.4.cloned.1.call-start
scs
__scs_entry_jumppad:
0x0: {  	(pc) =	sbr.rel $0x88, $3  }
0x1: {  	(tag) =	ssettag $0x0;
	lr =	simm.s32 $0x1  }
0x2: {  	[smem:$0x3F9E] =	sst lr;
	_ =	strace $0xD0000000  }
0x3: {  	_ = 	snop  }
0x4: {  	_ = 	snop  }
0x5: {  	_ = 	snop  }
0x6: {  	_ = 	snop  }
0x7: {  	_ = 	snop  }
__scs_overlays_trampoline_lowered:
0x8: {  	[smem:$0x3FAD] =	sst s0  }
0x9: {  	[smem:$0x3FAE] =	sst s1  }
0xa: {  	[smem:$0x3FAF] =	sst s2  }
0xb: {  	[smem:$0x3FB0] =	sst s3  }
0xc: {  	[smem:$0x3FB1] =	sst s4  }
0xd: {  	[smem:$0x3FB2] =	sst s5  }
0xe: {  	[smem:$0x3FB3] =	sst s6  }
0xf: {  	[smem:$0x3FB4] =	sst s7  }
0x10: {  	[smem:$0x3FB5] =	sst s8  }
0x11: {  	[smem:$0x3FB6] =	sst s9;
	s0 =	simm.s32 @!p0 $0x0  }
0x12: {  	s1 =	sld [smem:$0x3F9C];
	s0 =	simm.s32 @p0 $0x1  }
0x13: {  	[smem:$0x3FB7] =	sst s0;
	s0 =	simm.s32 @!p1 $0x0  }
0x14: {  	s2 =	sld [smem:$0x3F9B];
	s0 =	simm.s32 @p1 $0x1  }
0x15: {  	[smem:$0x3FB8] =	sst s0;
	s0 =	simm.s32 @!p2 $0x0  }
0x16: {  	s3 =	sld [smem:$0x3FDB];
	s0 =	simm.s32 @p2 $0x1  }
0x17: {  	s4 =	simm.s32 $0x1BF5;
	[smem:$0x3FBA] =	sst s0  }
0x18: {  	s0 =	sld [smem:$0x3F9D];
	_ =	swait.ge [sflag:s4], $0x0  }
0x19: {  	s7 =	sld [smem:$0x3F9E]  }
0x1a: {  	s8 =	sadd.s32 $0xFFFFE003, lr  }
0x1b: {  	s9 =	sadd.s32 $0xFFFFFEF7, lr;
	s5 =	simm.s32 $0xFFFFFFFF;
	p2 =	slt.u32 s8, $0xFFFFF086  }
0x1c: {  	p1 =	slt.u32 s9, $0xF7A;
	s5 =	simm.s32 @!p2 $0x0  }
0x1d: {  	s5 =	simm.s32 @p1 $0x1;
	p0 =	seq.s32 s7, s2  }
0x1e: {  	s7 =	smul.u32 @!p0 $0xF7A, s2;
	p2 =	seq.s32 @!p0 s5, $0x0  }
0x1f: {  	s9 =	smul.u32 $0xF7A, s1;
	s8 =	simm.s32 @!p0 $0x1BF5;
	p2 =	por !p2, p0  }
0x20: {  	[sflag:s8] =	ssyncset.s32 @!p0 $0xFFFFF086;
	s6 =	sadd.s32 @!p0 s3, s7;
	s7 =	simm.s32 @!p0 $0x108  }
0x21: {  	s3 =	sadd.s32 s3, s9;
	s6 =	sadd.s32 @!p0 $0x88, s6;
	s7 =	simm.s32 @p2 $0x1082  }
0x22: {  	[simem:s7], [sflag:s8] =	dma.local @!p0 [hbm:s6], $0xF7A  }
0x23: {  	s9 =	sor.u32 $0xD0000000, s2;
	s6 =	simm.s32 $0x108;
	_ =	swait.ge @!p0 [sflag:s8], $0x0  }
0x24: {  	s3 =	sadd.s32 $0x88, s3;
	s6 =	simm.s32 @!p1 $0x1082;
	[sflag:s4] =	ssyncset.s32 $0xFFFFF086  }
0x25: {  	[simem:s6], [sflag:s4] =	dma.local [hbm:s3], $0xF7A  }
0x26: {  	[smem:$0x3F9E] =	sst s1;
	(tag) =	ssettag s2;
	_ =	strace s9  }
0x27: {  	s1 =	sld [smem:$0x3FAE]  }
0x28: {  	s2 =	sld [smem:$0x3FAF]  }
0x29: {  	s4 =	sld [smem:$0x3FB1]  }
0x2a: {  	p0 =	seq.s32 s5, $0x0;
	s5 =	sld [smem:$0x3FB2]  }
0x2b: {  	s6 =	sld [smem:$0x3FB3]  }
0x2c: {  	s7 =	sld [smem:$0x3FB4]  }
0x2d: {  	s3 =	simm.s32 $0x108;
	s8 =	sld [smem:$0x3FB5]  }
0x2e: {  	s3 =	simm.s32 @!p0 $0x1082;
	s9 =	sld [smem:$0x3FB6]  }
0x2f: {  	lr =	sadd.s32 s0, s3;
	s0 =	sld [smem:$0x3FAD]  }
0x30: {  	s3 =	sld [smem:$0x3FB0]  }
0x31: {  	[smem:$0x3FB9] =	sst s10  }
0x32: {  	s10 =	sld [smem:$0x3FB7];
	_ =	sdelay $0x3  }
0x33: {  	p0 =	seq.s32 s10, $0x1;
	s10 =	sld [smem:$0x3FB9];
	_ =	sdelay $0x3  }
0x34: {  	[smem:$0x3FB9] =	sst s10  }
0x35: {  	s10 =	sld [smem:$0x3FB8];
	_ =	sdelay $0x3  }
0x36: {  	p1 =	seq.s32 s10, $0x1;
	s10 =	sld [smem:$0x3FB9];
	_ =	sdelay $0x3  }
0x37: {  	[smem:$0x3FB9] =	sst s10  }
0x38: {  	s10 =	sld [smem:$0x3FBA]  }
0x39: {  	_ = 	snop;
	(pc) =	sbr.ind lr, $3  }
0x3a: {  	_ = 	snop  }
0x3b: {  	_ = 	snop  }
0x3c: {  	p2 =	seq.s32 s10, $0x1;
	s10 =	sld [smem:$0x3FB9]  }
0x3d: {  	_ =	shalt  }
0x3e: {  	_ =	shalt  }
0x3f: {  	_ =	shalt  }
0x40: {  	_ =	shalt  }
0x41: {  	_ =	shalt  }
0x42: {  	_ =	shalt  }
0x43: {  	_ =	shalt  }
0x44: {  	_ =	shalt  }
0x45: {  	_ =	shalt  }
0x46: {  	_ =	shalt  }
0x47: {  	_ =	shalt  }
0x48: {  	_ =	shalt  }
0x49: {  	_ =	shalt  }
0x4a: {  	_ =	shalt  }
0x4b: {  	_ =	shalt  }
0x4c: {  	_ =	shalt  }
0x4d: {  	_ =	shalt  }
0x4e: {  	_ =	shalt  }
0x4f: {  	_ =	shalt  }
0x50: {  	_ =	shalt  }
0x51: {  	_ =	shalt  }
0x52: {  	_ =	shalt  }
0x53: {  	_ =	shalt  }
0x54: {  	_ =	shalt  }
0x55: {  	_ =	shalt  }
0x56: {  	_ =	shalt  }
0x57: {  	_ =	shalt  }
0x58: {  	_ =	shalt  }
0x59: {  	_ =	shalt  }
0x5a: {  	_ =	shalt  }
0x5b: {  	_ =	shalt  }
0x5c: {  	_ =	shalt  }
0x5d: {  	_ =	shalt  }
0x5e: {  	_ =	shalt  }
0x5f: {  	_ =	shalt  }
0x60: {  	_ =	shalt  }
0x61: {  	_ =	shalt  }
0x62: {  	_ =	shalt  }
0x63: {  	_ =	shalt  }
0x64: {  	_ =	shalt  }
0x65: {  	_ =	shalt  }
0x66: {  	_ =	shalt  }
0x67: {  	_ =	shalt  }
0x68: {  	_ =	shalt  }
0x69: {  	_ =	shalt  }
0x6a: {  	_ =	shalt  }
0x6b: {  	_ =	shalt  }
0x6c: {  	_ =	shalt  }
0x6d: {  	_ =	shalt  }
0x6e: {  	_ =	shalt  }
0x6f: {  	_ =	shalt  }
0x70: {  	_ =	shalt  }
0x71: {  	_ =	shalt  }
0x72: {  	_ =	shalt  }
0x73: {  	_ =	shalt  }
0x74: {  	_ =	shalt  }
0x75: {  	_ =	shalt  }
0x76: {  	_ =	shalt  }
0x77: {  	_ =	shalt  }
0x78: {  	_ =	shalt  }
0x79: {  	_ =	shalt  }
0x7a: {  	_ =	shalt  }
0x7b: {  	_ =	shalt  }
0x7c: {  	_ =	shalt  }
0x7d: {  	_ =	shalt  }
0x7e: {  	_ =	shalt  }
0x7f: {  	_ =	shalt  }
0x80: {  	_ =	shalt  }
0x81: {  	_ =	shalt  }
0x82: {  	_ =	shalt  }
0x83: {  	_ =	shalt  }
0x84: {  	_ =	shalt  }
0x85: {  	_ =	shalt  }
0x86: {  	_ =	shalt  }
0x87: {  	_ =	shalt  }
.Lfunc_end0:
.L_simem_size_0:
called_computation_lowered:
.L_overlay_start_0:
0x88: {  	s2 =	sld [smem:$0x3FD9]  }
0x89: {  	s3 =	sld [smem:$0x3FFE];
	_ =	sdelay $0x1  }
0x8a: {  	s1 =	srdreg.scid  }
0x8b: {  	s0 =	sand.u32 $0x1, s1  }
0x8c: {  	s14 =	sshll.u32 s0, $0xA;
	s2 =	sadd.s32 s3, s2  }
0x8d: {  	s2 =	sadd.s32 s2, s14  }
0x8e: {  	[smem:$0x3FC5] =	sst s2  }
0x8f: {  	_ = 	snop  }
0x90: {  	s2 =	sld [smem:$0x3FD0];
	_ =	sdelay $0x2  }
0x91: {  	s15 =	simm.s32 $0xA;
	s4 =	simm.s32 $0x10  }
0x92: {  	[smem:s4], [sflag:s15] =	dma.local [hbm:s2], $0x1  }
0x93: {  	_ =	swait.eq [sflag:s15], $0x1  }
0x94: {  	[sflag:s15] =	ssyncset.done $0x0  }
0x95: {  	[sflag:s15] =	ssyncadd.s32 $0xFFFFFFFF  }
0x96: {  	s16 =	sld [smem:$0x10];
	(tm) =	ssettm $0x1  }
0x97: {  	s17 =	sld [smem:$0x3FFB];
	_ =	sdelay $0x3  }
0x98: {  	_ =	strace s17  }
0x99: {  	s3 =	sld [smem:$0x3FFC];
	_ =	sdelay $0x3  }
0x9a: {  	_ =	strace s3  }
0x9b: {  	s3 =	sld [smem:$0x3FFD];
	_ =	sdelay $0x3  }
0x9c: {  	_ =	strace s3  }
0x9d: {  	_ =	strace $0x8FFFFFFF  }
0x9e: {  	s18 =	sld [smem:$0x3FDB];
	_ =	sdelay $0x1  }
0x9f: {  	s19 =	simm.s32 $_scs_section_size  }
0xa0: {  	s5 =	simm.s32 $_size__tile_overlayer_lowered;
	s6 =	simm.s32 $_tile_overlayer_lowered  }
0xa1: {  	s22 =	simm.s32 $0x1BFF;
	s21 =	sshll.u32 s6, $0x1;
	s3 =	sadd.s32 s19, s18  }
0xa2: {  	s7 =	simm.s32 $0x0;
	s20 =	sshll.u32 s5, $0x1;
	s5 =	sadd.s32 s21, s3  }
0xa3: {  	[timem:s7], [sflag:s22] =	dma.local [hbm:s5], s20  }
0xa4: {  	_ =	swait.ge [sflag:s22], s20  }
0xa5: {  	s4 =	ssub.s32 $0x0, s20;
	[sflag:s22] =	ssyncset.done $0x0  }
0xa6: {  	[sflag:s22] =	ssyncadd.s32 s4;
	_ =	sdelay $0x1  }
0xa7: {  	s23 =	simm.s32 $0x1B8B  }
0xa8: {  	_ =	swait.ge [sflag:s23], $0x1  }
0xa9: {  	[sflag:s23] =	ssyncset.done $0x0  }
0xaa: {  	s25 =	simm.s32 $0x1B8E;
	s24 =	sld [smem:$0x3FFE];
	[sflag:s23] =	ssyncadd.s32 $0xFFFFFFFF  }
0xab: {  	s26 =	simm.s32 $execute0_lowered;
	[smem:$0x3FD2] =	sst s25  }
0xac: {  	s5 =	sshll.u32 s26, $0x1;
	_ =	strace $0x80000046;
	[dreg:$0x1] =	wrdreg $0xFFFFFFFF  }
0xad: {  	s28 =	simm.s32 $_size_execute0_lowered;
	s3 =	sadd.s32 s3, s5;
	[dreg:$0x0] =	wrdreg $0x0  }
0xae: {  	s5 =	sshll.u32 s28, $0x1;
	[dreg:$0x2] =	wrdreg s3  }
0xaf: {  	[dreg:$0x3] =	wrdreg s5  }
0xb0: {  	[dreg:$0x4] =	wrdreg $0xC0  }
0xb1: {  	_ =	task [dreg:s7], $0x5FFFF  }
0xb2: {  	[dreg:$0x1] =	wrdreg $0xFFFFFFFF  }
0xb3: {  	[dreg:$0x0] =	wrdreg $0x60  }
0xb4: {  	[dreg:$0x2] =	wrdreg s16  }
0xb5: {  	[dreg:$0x3] =	wrdreg s24  }
0xb6: {  	[dreg:$0x4] =	wrdreg $0x9  }
0xb7: {  	_ =	task.clear_ibuf [dreg:s7], $0x5FFFF;
	_ =	strace $0x90000046  }
0xb8: {  	s29 =	simm.s32 $0x9;
	_ =	strace $0x80000048  }
0xb9: {  	_ =	swait.ge [sflag:s29], $0x1  }
0xba: {  	[sflag:s29] =	ssyncadd.s32 $0xFFFFFFFF  }
0xbb: {  	_ =	strace $0x90000048  }
0xbc: {  	_ =	sfence  }
0xbd: {  	s30 =	sld [smem:$0x0];
	_ =	sdelay $0x2  }
0xbe: {  	s31 =	sshll.u32 s1, $0xD;
	s1 =	sshrl.u32 s1, $0x2  }
0xbf: {  	s3 =	sand.u32 $0x4000, s31;
	s1 =	sadd.s32 s1, s30  }
0xc0: {  	s0 =	sor.u32 s3, s0;
	s1 =	sshll.u32 s1, $0x11  }
0xc1: {  	s0 =	sor.u32 s1, s0  }
0xc2: {  	s0 =	sadd.s32 $0x8F2B, s0  }
0xc3: {  	[sflag:s0] =	ssyncadd.remote.s32 $0x1  }
0xc4: {  	_ =	sfence.sel $0xFFFF  }
0xc5: {  	[dreg:$0x0] =	wrdreg $0xFFFFFFFF;
	(pc) =	sbr.abs _section_cstart, $3  }
0xc6: {  	[dreg:$0x1] =	wrdreg $0xFFFFFFFF  }
0xc7: {  	_ =	task.clear_ibuf [dreg:s7], $0x2FFFF;
	_ =	strace $0x9FFFFFFF  }
0xc8: {  	(tm) =	ssettm $0x7FFFFFFF  }
0xc9: {  	_ =	shalt  }
tec
execute0_lowered:
.L_overlay_start_1:
0x0: {  	(tag) =	ssettag $0x1  }
0x1: {  	s1 =	rddreg [dreg:$0x0]  }
0x2: {  	s4 =	rddreg [dreg:$0x1]  }
0x3: {  	s0 =	rddreg [dreg:$0x2]  }
0x4: {  	s3 =	simm.s32 $0x0;
	s5 =	srdreg.scid;
	s2 =	stileid.u32  }
0x5: {  	[smem:$0x7FF] =	sst s3;
	s5 =	sand.u32 $0x1, s5;
	s6 =	sshll.u32 s2, $0x1  }
0x6: {  	s9 =	simm.s32 $0x880;
	_ =	strace $0x80000047;
	s6 =	sor.u32 s5, s6  }
0x7: {  	v0 =	vlaneseq.u32;
	s5 =	ssub.s32 $0x2, s5;
	s7 =	sshll.u32 s6, $0x2;
	s6 =	sshll.u32 s6, $0x3  }
0x8: {  	v0 =	vmul.u32 $0x2, v0;
	s8 =	sshrl.u32 s5, $0x1;
	s7 =	sadd.s32 s7, s4;
	s6 =	sadd.s32 s6, s4  }
0x9: {  	s8 =	ssub.s32 s5, s8;
	s4 =	sadd.s32 $0x600, s7;
	s5 =	sadd.s32 $0x800, s6  }
0xa: {  	v1 =	vor.u32 $0x1, v0;
	v2 =	vor.u32 $0x20, v0;
	v3 =	vor.u32 $0x21, v0;
	s6 =	smax.u32 s8, $0x1;
	s7 =	simm.s32 $0x1;
	s8 =	simm.s32 $0x800  }
.LBB2_1:
0xb: {  	[tilespmem:s3], [sflag:$0x1] =	stream.linear.gather [hbm4b:s1+s3], $0x800, $0x38;
	[tilespmem:$0x900] =	vst v63  }
0xc: {  	_ =	swait.ge [sflag:s7], $0x800  }
0xd: {  	[sflag:s7] =	ssyncset.done $0x0  }
0xe: {  	[sflag:s7] =	ssyncadd.s32 $0xFFFFF800  }
0xf: {  	[tilespmem:s8], [sflag:$0x1] =	stream.linear.gather [hbm4b:s4+s3], $0x20, $0x38;
	[tilespmem:$0x900] =	vst v63  }
0x10: {  	_ =	swait.ge [sflag:s7], $0x20  }
0x11: {  	[sflag:s7] =	ssyncset.done $0x0  }
0x12: {  	[sflag:s7] =	ssyncadd.s32 $0xFFFFFFE0  }
0x13: {  	v4 =	vld [tilespmem:$0x800];
	_ =	sdelay $0x4  }
0x14: {  	v4 =	vshll.u32 v4, $0x1  }
0x15: {  	v5 =	vor.u32 $0x1, v4;
	_ =	sdelay $0x3  }
0x16: {  	v4 =	vld.idx.msk [tilespmem:v4+s3+$0x0], $0xffff  }
0x17: {  	v5 =	vld.idx.msk [tilespmem:v5+s3+$0x0], $0xffff;
	_ =	sdelay $0x3  }
0x18: {  	[tilespmem:v0+s9+$0x0] =	vst.idx.msk $0xffff, v4  }
0x19: {  	[tilespmem:v1+s9+$0x0] =	vst.idx.msk $0xffff, v5  }
0x1a: {  	v4 =	vld [tilespmem:$0x810];
	_ =	sdelay $0x4  }
0x1b: {  	v4 =	vshll.u32 v4, $0x1  }
0x1c: {  	v5 =	vor.u32 $0x1, v4;
	_ =	sdelay $0x3  }
0x1d: {  	v4 =	vld.idx.msk [tilespmem:v4+s3+$0x0], $0xffff  }
0x1e: {  	v5 =	vld.idx.msk [tilespmem:v5+s3+$0x0], $0xffff;
	_ =	sdelay $0x3  }
0x1f: {  	p0 =	sne.s32 s6, $0x1;
	[tilespmem:v2+s9+$0x0] =	vst.idx.msk $0xffff, v4  }
.Ltmp0:
0x20: {  	[tilespmem:v3+s9+$0x0] =	vst.idx.msk $0xffff, v5;
	(pc) =	sbr.rel @p0 .LBB2_1-.Ltmp0, $4  }
0x21: {  	[hbm4b:s5+s3] =	stream.linear.scatter [tilespmem:s9], [sflag:$0x1], $0x40, $0x38;
	[tilespmem:$0x900] =	vst v63  }
0x22: {  	_ =	swait.ge [sflag:s7], $0x40  }
0x23: {  	[sflag:s7] =	ssyncset.done $0x0  }
0x24: {  	s6 =	sadd.s32 $0xFFFFFFFF, s6;
	[sflag:s7] =	ssyncadd.s32 $0xFFFFFFC0  }
0x25: {  	_ =	sfence.sel $0x180000  }
0x26: {  	[bflag:$0x0] =	sbarrier.arrive $0xFFFF  }
0x27: {  	p0 =	sne.s32 s2, $0x0;
	_ =	strace $0x90000047  }
0x28: {  	s0 =	sadd.s32 @!p0 $0x100000, s0;
	[bflag:$0x2] =	sbarrier.arrive $0xFFFF  }
0x29: {  	[sflag:s0] =	ssyncadd.tile.s32 @!p0 $0x1;
	_ =	shalt  }
.Lfunc_end2:
_tile_overlayer_lowered:
.L_overlay_start_2:
0x2a: {  	(tag) =	ssettag $0x2  }
0x2b: {  	s0 =	rddreg [dreg:$0x0];
	s2 =	stileid.u32  }
0x2c: {  	s1 =	rddreg [dreg:$0x1];
	p0 =	sne.s32 s2, $0x0  }
0x2d: {  	s3 =	rddreg [dreg:$0x2];
	[bflag:$0x3] =	sbarrier.arrive $0xFFFF;
	s2 =	simm.s32 @!p0 $0x1C01  }
0x2e: {  	[timem:s3], [sflag:s2] =	dma.local @!p0 [hbm:s0], s1  }
0x2f: {  	s0 =	simm.s32 @!p0 $0x1  }
0x30: {  	_ =	swait.ge @!p0 [sflag:s0], s1  }
0x31: {  	s1 =	ssub.s32 @!p0 $0x0, s1;
	[sflag:s0] =	ssyncset.done @!p0 $0x0  }
0x32: {  	[sflag:s0] =	ssyncadd.s32 @!p0 s1  }
0x33: {  	[bflag:$0x3] =	sbarrier.arrive $0xFFFF  }
0x34: {  	_ =	shalt  }

</sc_bundles>
